<compile_context>
chip_gen: v7x
topology: tpu7x:2x2x1
jax: 0.10.2.dev20260603
libtpu: 0.0.44.dev20260713+nightly
codegen_flags: <defaults>
</compile_context>

<pallas_src>
import functools

import jax
import jax.numpy as jnp
from jax import lax
from jax.experimental import pallas as pl
from jax.experimental.pallas import tpu as pltpu
from jax.experimental.pallas import tpu_sc as plsc


def _sc_gather(input_ids, W):
    L = input_ids.shape[0]
    D = W.shape[1]
    info = plsc.get_sparse_core_info()
    rows_per_w = L // info.num_subcores
    mesh = plsc.VectorSubcoreMesh(
        core_axis_name="c", subcore_axis_name="s", num_cores=1)

    @functools.partial(
        pl.kernel,
        mesh=mesh,
        out_type=jax.ShapeDtypeStruct((L, D), jnp.float32),
        scratch_types=[
            pltpu.VMEM((rows_per_w,), jnp.int32),
            pltpu.VMEM((rows_per_w, D), jnp.float32),
            pltpu.SemaphoreType.DMA,
        ],
    )
    def gather_kernel(ids_hbm, table_hbm, out_hbm, idx_v, rows_v, sem):
        base = lax.axis_index("s") * rows_per_w
        pltpu.sync_copy(ids_hbm.at[pl.ds(base, rows_per_w)], idx_v)
        pltpu.async_copy(table_hbm.at[idx_v], rows_v, sem).wait()
        pltpu.sync_copy(rows_v, out_hbm.at[pl.ds(base, rows_per_w)])

    return gather_kernel(input_ids, W)


def _tc_broadcast(emb, B):
    L, D = emb.shape
    BB = 8

    def body(emb_ref, out_ref):
        out_ref[...] = jnp.broadcast_to(emb_ref[...][None], (BB, L, D))

    return pl.pallas_call(
        body,
        grid=(B // BB,),
        in_specs=[pl.BlockSpec((L, D), lambda b: (0, 0))],
        out_specs=pl.BlockSpec((BB, L, D), lambda b: (b, 0, 0)),
        out_shape=jax.ShapeDtypeStruct((B, L, D), jnp.float32),
    )(emb)


def kernel(x, input_ids, W):
    B = x.shape[0]
    emb = _sc_gather(input_ids, W)
    return _tc_broadcast(emb, B)

# --- scband reference (transcript-rebuilt; emitter-appended) ---
"""Pipeline reference for scband-prompt-embedding-88914412962013 (READ-ONLY COPY).

The authoritative reference and input builder live on the scoring server;
editing this copy changes nothing except your own understanding.
"""

import jax, jax.numpy as jnp
import numpy as np

B, T, C = 64, 512, 12
L = 128          # prompt_max_lenght (tokenized prompt length, padded)
VOCAB = 100000   # tokenizer vocab size
D_MODEL = 768    # llm embedding dim

def setup_inputs(seed: int = 0) -> dict:
    key = jax.random.key(seed)
    k1, k2, k3 = jax.random.split(key, 3)
    x = jax.random.normal(k1, (B, T, C), dtype=jnp.float32)
    # The prompt string is identical for every batch element (depends only on
    # B, T, C, num_classes), so the tokenizer emits one fixed id sequence of
    # length L, replicated across the batch. We model it as a constant id row.
    input_ids = jax.random.randint(k2, (L,), 0, VOCAB, dtype=jnp.int32)
    # LLM input-embedding table (llm.get_input_embeddings().weight)
    W = jax.random.normal(k3, (VOCAB, D_MODEL), dtype=jnp.float32) * 0.02
    return {"x": x, "input_ids": input_ids, "W": W}

def reference(x, input_ids, W):
    # _scenario_classification_prompt -> same prompt per batch row
    b = x.shape[0]
    ids = jnp.broadcast_to(input_ids[None, :], (b, input_ids.shape[0]))  # tokenizer(..., padding=True) -> [B, L]
    prompt_embedding = jnp.take(W, ids, axis=0)  # llm.get_input_embeddings()(input_ids) -> [B, L, D]
    return prompt_embedding

if __name__ == "__main__":
    import jax
    _d = setup_inputs()
    print(jax.jit(kernel)(*tuple(_d.values())))

</pallas_src>

<mosaic_0001>
#map = affine_map<(d0, d1) -> (0)>
#map1 = affine_map<(d0, d1) -> (0, 0)>
module attributes {stable_mosaic.version = 14 : i64} {
  func.func @gather_kernel(%arg0: i32, %arg1: i32, %arg2: memref<128xi32, #tpu.memory_space<hbm>>, %arg3: memref<100000x768xf32, #tpu.memory_space<hbm>>, %arg4: memref<128x768xf32, #tpu.memory_space<hbm>>, %arg5: memref<8xi32, #tpu.memory_space<vmem>>, %arg6: memref<8x768xf32, #tpu.memory_space<vmem>>, %arg7: memref<!tpu.dma_semaphore, #tpu.memory_space<semaphore_mem>>) attributes {dimension_semantics = [#tpu.dimension_semantics<core_parallel>, #tpu.dimension_semantics<subcore_parallel>], iteration_bounds = array<i64: 1, 16>, scalar_prefetch = 0 : i64, scratch_operands = 3 : i64, tpu.core_type = #tpu.core_type<sc_vector_subcore>, window_params = [{transform_indices = #map}, {transform_indices = #map1}, {transform_indices = #map1}]} {
    %mul3A = arith.constant 8 : i32
    %mul3A_0 = arith.muli %arg1, %mul3A : i32
    "tpu.region"() ({
      %run_scoped3A = tpu.sem_alloc : memref<!tpu.dma_semaphore, #tpu.memory_space<semaphore_mem>>
      %dma_start3A_5 = tpu.memref_slice %arg2[%mul3A_0] : memref<128xi32, #tpu.memory_space<hbm>> -> memref<8xi32, #tpu.memory_space<hbm>>
      %dma_start3A_6 = tpu.memref_slice %arg2[%mul3A_0] : memref<128xi32, #tpu.memory_space<hbm>> -> memref<8xi32, #tpu.memory_space<hbm>>
      tpu.enqueue_dma source(%dma_start3A_6 : memref<8xi32, #tpu.memory_space<hbm>>) target(%arg5 : memref<8xi32, #tpu.memory_space<vmem>>) target_semaphore(%run_scoped3A : memref<!tpu.dma_semaphore, #tpu.memory_space<semaphore_mem>>)
      %dma_wait3A_7 = tpu.memref_slice %arg2[%mul3A_0] : memref<128xi32, #tpu.memory_space<hbm>> -> memref<8xi32, #tpu.memory_space<hbm>>
      %dma_wait3A_8 = tpu.memref_slice %arg2[%mul3A_0] : memref<128xi32, #tpu.memory_space<hbm>> -> memref<8xi32, #tpu.memory_space<hbm>>
      tpu.wait_dma2 semaphore(%run_scoped3A : memref<!tpu.dma_semaphore, #tpu.memory_space<semaphore_mem>>) src(%dma_wait3A_8 : memref<8xi32, #tpu.memory_space<hbm>>) dst(%arg5 : memref<8xi32, #tpu.memory_space<vmem>>)
      tpu.yield
    }) : () -> ()
    %dma_start3A = arith.constant 0 : i32
    %dma_start3A_1 = arith.constant 0 : i32
    %dma_start3A_2 = tpu.memref_slice %arg3[%dma_start3A, %dma_start3A_1] : memref<100000x768xf32, #tpu.memory_space<hbm>> -> memref<100000x768xf32, #tpu.memory_space<hbm>>
    tpu.enqueue_indirect_dma source(%dma_start3A_2 : memref<100000x768xf32, #tpu.memory_space<hbm>>) target(%arg6 : memref<8x768xf32, #tpu.memory_space<vmem>>) offsets(%arg5 : memref<8xi32, #tpu.memory_space<vmem>>) semaphore(%arg7 : memref<!tpu.dma_semaphore, #tpu.memory_space<semaphore_mem>>)
    %dma_wait3A = arith.constant 0 : i32
    %dma_wait3A_3 = arith.constant 0 : i32
    %dma_wait3A_4 = tpu.memref_slice %arg3[%dma_wait3A, %dma_wait3A_3] : memref<100000x768xf32, #tpu.memory_space<hbm>> -> memref<100000x768xf32, #tpu.memory_space<hbm>>
    tpu.wait_indirect_dma semaphore(%arg7 : memref<!tpu.dma_semaphore, #tpu.memory_space<semaphore_mem>>) src(%dma_wait3A_4 : memref<100000x768xf32, #tpu.memory_space<hbm>>) dst(%arg6 : memref<8x768xf32, #tpu.memory_space<vmem>>)
    "tpu.region"() ({
      %run_scoped3A = tpu.sem_alloc : memref<!tpu.dma_semaphore, #tpu.memory_space<semaphore_mem>>
      %dma_start3A_5 = arith.constant 0 : i32
      %dma_start3A_6 = tpu.memref_slice %arg4[%mul3A_0, %dma_start3A_5] : memref<128x768xf32, #tpu.memory_space<hbm>> -> memref<8x768xf32, #tpu.memory_space<hbm>>
      %dma_start3A_7 = arith.constant 0 : i32
      %dma_start3A_8 = tpu.memref_slice %arg4[%mul3A_0, %dma_start3A_7] : memref<128x768xf32, #tpu.memory_space<hbm>> -> memref<8x768xf32, #tpu.memory_space<hbm>>
      tpu.enqueue_dma source(%arg6 : memref<8x768xf32, #tpu.memory_space<vmem>>) target(%dma_start3A_8 : memref<8x768xf32, #tpu.memory_space<hbm>>) target_semaphore(%run_scoped3A : memref<!tpu.dma_semaphore, #tpu.memory_space<semaphore_mem>>)
      %dma_wait3A_9 = arith.constant 0 : i32
      %dma_wait3A_10 = tpu.memref_slice %arg4[%mul3A_0, %dma_wait3A_9] : memref<128x768xf32, #tpu.memory_space<hbm>> -> memref<8x768xf32, #tpu.memory_space<hbm>>
      %dma_wait3A_11 = arith.constant 0 : i32
      %dma_wait3A_12 = tpu.memref_slice %arg4[%mul3A_0, %dma_wait3A_11] : memref<128x768xf32, #tpu.memory_space<hbm>> -> memref<8x768xf32, #tpu.memory_space<hbm>>
      tpu.wait_dma2 semaphore(%run_scoped3A : memref<!tpu.dma_semaphore, #tpu.memory_space<semaphore_mem>>) src(%arg6 : memref<8x768xf32, #tpu.memory_space<vmem>>) dst(%dma_wait3A_12 : memref<8x768xf32, #tpu.memory_space<hbm>>)
      tpu.yield
    }) : () -> ()
    return
  }
}

module attributes {stable_mosaic.version = 14 : i64} {
  func.func @body(%arg0: i32, %arg1: memref<128x768xf32, #tpu.memory_space<vmem>>, %arg2: memref<8x128x768xf32, #tpu.memory_space<vmem>>) attributes {dimension_semantics = [#tpu.dimension_semantics<arbitrary>], iteration_bounds = array<i64: 8>, scalar_prefetch = 0 : i64, scratch_operands = 0 : i64, tpu.core_type = #tpu.core_type<tc>, window_params = [{pipeline_mode = #tpu.pipeline_mode<synchronous>, transform_indices = @transform_0, window_bounds = array<i64: 128, 768>}, {transform_indices = @transform_1, window_bounds = array<i64: 8, 128, 768>}]} {
    %get3A = arith.constant 0 : index
    %get3A_0 = arith.constant 0 : index
    %get3A_1 = vector.load %arg1[%get3A, %get3A_0] : memref<128x768xf32, #tpu.memory_space<vmem>>, vector<128x768xf32>
    %broadcast_in_dim3A = vector.shape_cast %get3A_1 : vector<128x768xf32> to vector<1x128x768xf32>
    %broadcast_in_dim3A_2 = vector.shape_cast %broadcast_in_dim3A : vector<1x128x768xf32> to vector<1x128x768xf32>
    %broadcast_in_dim3A_3 = vector.broadcast %broadcast_in_dim3A_2 : vector<1x128x768xf32> to vector<8x128x768xf32>
    %swap3A = arith.constant 0 : index
    %swap3A_4 = arith.constant 0 : index
    %swap3A_5 = arith.constant 0 : index
    %swap3A_6 = vector.load %arg2[%swap3A, %swap3A_4, %swap3A_5] : memref<8x128x768xf32, #tpu.memory_space<vmem>>, vector<8x128x768xf32>
    tpu.vector_store %arg2[%swap3A, %swap3A_4, %swap3A_5], %broadcast_in_dim3A_3 {strides = array<i32>} : memref<8x128x768xf32, #tpu.memory_space<vmem>>, vector<8x128x768xf32>,
    return
  }
  func.func @transform_0(%arg0: i32) -> (i32, i32) {
    %c0_i32 = arith.constant 0 : i32
    %c0_i32_0 = arith.constant 0 : i32
    %c0_i32_1 = arith.constant 0 : i32
    return %c0_i32, %c0_i32_0 : i32, i32
  }
  func.func @transform_1(%arg0: i32) -> (i32, i32, i32) {
    %c0_i32 = arith.constant 0 : i32
    %c0_i32_0 = arith.constant 0 : i32
    %c0_i32_1 = arith.constant 0 : i32
    return %arg0, %c0_i32, %c0_i32_0 : i32, i32, i32
  }
}

</mosaic_0001>

<sc_bundles>
// kernel: kernel.4.cloned.1.call-start
scs
__scs_entry_jumppad:
0x0: {  	(pc) =	sbr.rel $0x88, $3  }
0x1: {  	(tag) =	ssettag $0x0;
	lr =	simm.s32 $0x1  }
0x2: {  	[smem:$0x3F9F] =	sst lr;
	_ =	strace $0xD0000000  }
0x3: {  	_ = 	snop  }
0x4: {  	_ = 	snop  }
0x5: {  	_ = 	snop  }
0x6: {  	_ = 	snop  }
0x7: {  	_ = 	snop  }
__scs_overlays_trampoline_lowered:
0x8: {  	[smem:$0x3FAE] =	sst s0  }
0x9: {  	[smem:$0x3FAF] =	sst s1  }
0xa: {  	[smem:$0x3FB0] =	sst s2  }
0xb: {  	[smem:$0x3FB1] =	sst s3  }
0xc: {  	[smem:$0x3FB2] =	sst s4  }
0xd: {  	[smem:$0x3FB3] =	sst s5  }
0xe: {  	[smem:$0x3FB4] =	sst s6  }
0xf: {  	[smem:$0x3FB5] =	sst s7  }
0x10: {  	[smem:$0x3FB6] =	sst s8  }
0x11: {  	[smem:$0x3FB7] =	sst s9;
	s0 =	simm.s32 @!p0 $0x0  }
0x12: {  	s1 =	sld [smem:$0x3F9D];
	s0 =	simm.s32 @p0 $0x1  }
0x13: {  	[smem:$0x3FB8] =	sst s0;
	s0 =	simm.s32 @!p1 $0x0  }
0x14: {  	s2 =	sld [smem:$0x3F9C];
	s0 =	simm.s32 @p1 $0x1  }
0x15: {  	[smem:$0x3FB9] =	sst s0;
	s0 =	simm.s32 @!p2 $0x0  }
0x16: {  	s3 =	sld [smem:$0x3FDB];
	s0 =	simm.s32 @p2 $0x1  }
0x17: {  	s4 =	simm.s32 $0x1BF5;
	[smem:$0x3FBB] =	sst s0  }
0x18: {  	s0 =	sld [smem:$0x3F9E];
	_ =	swait.ge [sflag:s4], $0x0  }
0x19: {  	s7 =	sld [smem:$0x3F9F]  }
0x1a: {  	s8 =	sadd.s32 $0xFFFFE003, lr  }
0x1b: {  	s9 =	sadd.s32 $0xFFFFFEF7, lr;
	s5 =	simm.s32 $0xFFFFFFFF;
	p2 =	slt.u32 s8, $0xFFFFF086  }
0x1c: {  	p1 =	slt.u32 s9, $0xF7A;
	s5 =	simm.s32 @!p2 $0x0  }
0x1d: {  	s5 =	simm.s32 @p1 $0x1;
	p0 =	seq.s32 s7, s2  }
0x1e: {  	s7 =	smul.u32 @!p0 $0xF7A, s2;
	p2 =	seq.s32 @!p0 s5, $0x0  }
0x1f: {  	s9 =	smul.u32 $0xF7A, s1;
	s8 =	simm.s32 @!p0 $0x1BF5;
	p2 =	por !p2, p0  }
0x20: {  	[sflag:s8] =	ssyncset.s32 @!p0 $0xFFFFF086;
	s6 =	sadd.s32 @!p0 s3, s7;
	s7 =	simm.s32 @!p0 $0x108  }
0x21: {  	s3 =	sadd.s32 s3, s9;
	s6 =	sadd.s32 @!p0 $0x88, s6;
	s7 =	simm.s32 @p2 $0x1082  }
0x22: {  	[simem:s7], [sflag:s8] =	dma.local @!p0 [hbm:s6], $0xF7A  }
0x23: {  	s9 =	sor.u32 $0xD0000000, s2;
	s6 =	simm.s32 $0x108;
	_ =	swait.ge @!p0 [sflag:s8], $0x0  }
0x24: {  	s3 =	sadd.s32 $0x88, s3;
	s6 =	simm.s32 @!p1 $0x1082;
	[sflag:s4] =	ssyncset.s32 $0xFFFFF086  }
0x25: {  	[simem:s6], [sflag:s4] =	dma.local [hbm:s3], $0xF7A  }
0x26: {  	[smem:$0x3F9F] =	sst s1;
	(tag) =	ssettag s2;
	_ =	strace s9  }
0x27: {  	s1 =	sld [smem:$0x3FAF]  }
0x28: {  	s2 =	sld [smem:$0x3FB0]  }
0x29: {  	s4 =	sld [smem:$0x3FB2]  }
0x2a: {  	p0 =	seq.s32 s5, $0x0;
	s5 =	sld [smem:$0x3FB3]  }
0x2b: {  	s6 =	sld [smem:$0x3FB4]  }
0x2c: {  	s7 =	sld [smem:$0x3FB5]  }
0x2d: {  	s3 =	simm.s32 $0x108;
	s8 =	sld [smem:$0x3FB6]  }
0x2e: {  	s3 =	simm.s32 @!p0 $0x1082;
	s9 =	sld [smem:$0x3FB7]  }
0x2f: {  	lr =	sadd.s32 s0, s3;
	s0 =	sld [smem:$0x3FAE]  }
0x30: {  	s3 =	sld [smem:$0x3FB1]  }
0x31: {  	[smem:$0x3FBA] =	sst s10  }
0x32: {  	s10 =	sld [smem:$0x3FB8];
	_ =	sdelay $0x3  }
0x33: {  	p0 =	seq.s32 s10, $0x1;
	s10 =	sld [smem:$0x3FBA];
	_ =	sdelay $0x3  }
0x34: {  	[smem:$0x3FBA] =	sst s10  }
0x35: {  	s10 =	sld [smem:$0x3FB9];
	_ =	sdelay $0x3  }
0x36: {  	p1 =	seq.s32 s10, $0x1;
	s10 =	sld [smem:$0x3FBA];
	_ =	sdelay $0x3  }
0x37: {  	[smem:$0x3FBA] =	sst s10  }
0x38: {  	s10 =	sld [smem:$0x3FBB]  }
0x39: {  	_ = 	snop;
	(pc) =	sbr.ind lr, $3  }
0x3a: {  	_ = 	snop  }
0x3b: {  	_ = 	snop  }
0x3c: {  	p2 =	seq.s32 s10, $0x1;
	s10 =	sld [smem:$0x3FBA]  }
0x3d: {  	_ =	shalt  }
0x3e: {  	_ =	shalt  }
0x3f: {  	_ =	shalt  }
0x40: {  	_ =	shalt  }
0x41: {  	_ =	shalt  }
0x42: {  	_ =	shalt  }
0x43: {  	_ =	shalt  }
0x44: {  	_ =	shalt  }
0x45: {  	_ =	shalt  }
0x46: {  	_ =	shalt  }
0x47: {  	_ =	shalt  }
0x48: {  	_ =	shalt  }
0x49: {  	_ =	shalt  }
0x4a: {  	_ =	shalt  }
0x4b: {  	_ =	shalt  }
0x4c: {  	_ =	shalt  }
0x4d: {  	_ =	shalt  }
0x4e: {  	_ =	shalt  }
0x4f: {  	_ =	shalt  }
0x50: {  	_ =	shalt  }
0x51: {  	_ =	shalt  }
0x52: {  	_ =	shalt  }
0x53: {  	_ =	shalt  }
0x54: {  	_ =	shalt  }
0x55: {  	_ =	shalt  }
0x56: {  	_ =	shalt  }
0x57: {  	_ =	shalt  }
0x58: {  	_ =	shalt  }
0x59: {  	_ =	shalt  }
0x5a: {  	_ =	shalt  }
0x5b: {  	_ =	shalt  }
0x5c: {  	_ =	shalt  }
0x5d: {  	_ =	shalt  }
0x5e: {  	_ =	shalt  }
0x5f: {  	_ =	shalt  }
0x60: {  	_ =	shalt  }
0x61: {  	_ =	shalt  }
0x62: {  	_ =	shalt  }
0x63: {  	_ =	shalt  }
0x64: {  	_ =	shalt  }
0x65: {  	_ =	shalt  }
0x66: {  	_ =	shalt  }
0x67: {  	_ =	shalt  }
0x68: {  	_ =	shalt  }
0x69: {  	_ =	shalt  }
0x6a: {  	_ =	shalt  }
0x6b: {  	_ =	shalt  }
0x6c: {  	_ =	shalt  }
0x6d: {  	_ =	shalt  }
0x6e: {  	_ =	shalt  }
0x6f: {  	_ =	shalt  }
0x70: {  	_ =	shalt  }
0x71: {  	_ =	shalt  }
0x72: {  	_ =	shalt  }
0x73: {  	_ =	shalt  }
0x74: {  	_ =	shalt  }
0x75: {  	_ =	shalt  }
0x76: {  	_ =	shalt  }
0x77: {  	_ =	shalt  }
0x78: {  	_ =	shalt  }
0x79: {  	_ =	shalt  }
0x7a: {  	_ =	shalt  }
0x7b: {  	_ =	shalt  }
0x7c: {  	_ =	shalt  }
0x7d: {  	_ =	shalt  }
0x7e: {  	_ =	shalt  }
0x7f: {  	_ =	shalt  }
0x80: {  	_ =	shalt  }
0x81: {  	_ =	shalt  }
0x82: {  	_ =	shalt  }
0x83: {  	_ =	shalt  }
0x84: {  	_ =	shalt  }
0x85: {  	_ =	shalt  }
0x86: {  	_ =	shalt  }
0x87: {  	_ =	shalt  }
.Lfunc_end0:
.L_simem_size_0:
called_computation_lowered:
.L_overlay_start_0:
0x88: {  	s0 =	sld [smem:$0x3FD9]  }
0x89: {  	s1 =	sld [smem:$0x3FFE];
	_ =	sdelay $0x3  }
0x8a: {  	s0 =	sadd.s32 s1, s0  }
0x8b: {  	[smem:$0x3FC6] =	sst s0  }
0x8c: {  	_ = 	snop  }
0x8d: {  	s0 =	sld [smem:$0x3FC9]  }
0x8e: {  	s17 =	sld [smem:$0x3FC8]  }
0x8f: {  	s2 =	sld [smem:$0x3FD0];
	(tm) =	ssettm $0x1  }
0x90: {  	s3 =	sld [smem:$0x3FFB];
	_ =	sdelay $0x3  }
0x91: {  	_ =	strace s3  }
0x92: {  	s3 =	sld [smem:$0x3FFC];
	_ =	sdelay $0x3  }
0x93: {  	_ =	strace s3  }
0x94: {  	s3 =	sld [smem:$0x3FFD];
	_ =	sdelay $0x3  }
0x95: {  	_ =	strace s3  }
0x96: {  	_ =	strace $0x8FFFFFFF  }
0x97: {  	s18 =	sld [smem:$0x3FDB];
	_ =	sdelay $0x1  }
0x98: {  	s4 =	simm.s32 $_scs_section_size  }
0x99: {  	s5 =	simm.s32 $_size__tile_overlayer_lowered;
	s6 =	simm.s32 $_tile_overlayer_lowered  }
0x9a: {  	s21 =	simm.s32 $0x1BFF;
	s20 =	sshll.u32 s6, $0x1;
	s3 =	sadd.s32 s4, s18  }
0x9b: {  	s7 =	simm.s32 $0x0;
	s19 =	sshll.u32 s5, $0x1;
	s5 =	sadd.s32 s20, s3  }
0x9c: {  	[timem:s7], [sflag:s21] =	dma.local [hbm:s5], s19  }
0x9d: {  	_ =	swait.ge [sflag:s21], s19  }
0x9e: {  	s4 =	ssub.s32 $0x0, s19;
	[sflag:s21] =	ssyncset.done $0x0  }
0x9f: {  	[sflag:s21] =	ssyncadd.s32 s4;
	_ =	sdelay $0x1  }
0xa0: {  	s22 =	simm.s32 $0x1B8B  }
0xa1: {  	_ =	swait.ge [sflag:s22], $0x1  }
0xa2: {  	[sflag:s22] =	ssyncset.done $0x0  }
0xa3: {  	s23 =	simm.s32 $0x1B8E;
	[sflag:s22] =	ssyncadd.s32 $0xFFFFFFFF  }
0xa4: {  	s24 =	simm.s32 $execute0_lowered;
	[smem:$0x3FD2] =	sst s23  }
0xa5: {  	s4 =	sshll.u32 s24, $0x1;
	_ =	strace $0x80000046;
	[dreg:$0x1] =	wrdreg $0xFFFFFFFF  }
0xa6: {  	s25 =	simm.s32 $_size_execute0_lowered;
	s3 =	sadd.s32 s3, s4;
	[dreg:$0x0] =	wrdreg $0x0  }
0xa7: {  	s4 =	sshll.u32 s25, $0x1;
	[dreg:$0x2] =	wrdreg s3  }
0xa8: {  	[dreg:$0x3] =	wrdreg s4  }
0xa9: {  	[dreg:$0x4] =	wrdreg $0xC0  }
0xaa: {  	_ =	task [dreg:s7], $0x5FFFF  }
0xab: {  	[dreg:$0x1] =	wrdreg $0xFFFFFFFF  }
0xac: {  	[dreg:$0x0] =	wrdreg $0x60  }
0xad: {  	[dreg:$0x2] =	wrdreg s0  }
0xae: {  	[dreg:$0x3] =	wrdreg s17  }
0xaf: {  	[dreg:$0x4] =	wrdreg s2  }
0xb0: {  	[dreg:$0x5] =	wrdreg $0x9  }
0xb1: {  	_ =	task.clear_ibuf [dreg:s7], $0x6FFFF;
	_ =	strace $0x90000046  }
0xb2: {  	s26 =	simm.s32 $0x9;
	_ =	strace $0x80000048  }
0xb3: {  	_ =	swait.ge [sflag:s26], $0x1  }
0xb4: {  	[sflag:s26] =	ssyncadd.s32 $0xFFFFFFFF  }
0xb5: {  	_ =	strace $0x90000048  }
0xb6: {  	_ =	sfence  }
0xb7: {  	s28 =	sld [smem:$0x0];
	_ =	sdelay $0x1  }
0xb8: {  	s29 =	srdreg.scid  }
0xb9: {  	s30 =	sshll.u32 s29, $0xD;
	s31 =	sshrl.u32 s29, $0x2  }
0xba: {  	s1 =	sand.u32 $0x1, s29;
	s2 =	sand.u32 $0x4000, s30;
	s0 =	sadd.s32 s31, s28  }
0xbb: {  	s1 =	sor.u32 s2, s1;
	s0 =	sshll.u32 s0, $0x11  }
0xbc: {  	s0 =	sor.u32 s0, s1  }
0xbd: {  	s0 =	sadd.s32 $0x8F2B, s0  }
0xbe: {  	[sflag:s0] =	ssyncadd.remote.s32 $0x1  }
0xbf: {  	_ =	sfence.sel $0xFFFF  }
0xc0: {  	[dreg:$0x0] =	wrdreg $0xFFFFFFFF;
	(pc) =	sbr.abs _section_cstart, $3  }
0xc1: {  	[dreg:$0x1] =	wrdreg $0xFFFFFFFF  }
0xc2: {  	_ =	task.clear_ibuf [dreg:s7], $0x2FFFF;
	_ =	strace $0x9FFFFFFF  }
0xc3: {  	(tm) =	ssettm $0x7FFFFFFF  }
tec
execute0_lowered:
.L_overlay_start_1:
0x0: {  	(tag) =	ssettag $0x1  }
0x1: {  	s0 =	rddreg [dreg:$0x0]  }
0x2: {  	s1 =	rddreg [dreg:$0x1]  }
0x3: {  	s2 =	rddreg [dreg:$0x2]  }
0x4: {  	s3 =	rddreg [dreg:$0x3];
	s4 =	simm.s32 $0x0  }
0x5: {  	s5 =	stileid.u32;
	[smem:$0x7FF] =	sst s4  }
0x6: {  	s28 =	simm.s32 $0x2;
	s0 =	sadd.s32 s0, s5;
	_ =	strace $0x80000047  }
0x7: {  	[tilespmem:s4], [sflag:$0x2] =	stream.linear.gather [hbm4b:s0+s4], $0x8, $0x38;
	[tilespmem:$0x1880] =	vst v63  }
0x8: {  	_ =	swait.ge [sflag:s28], $0x8  }
0x9: {  	[sflag:s28] =	ssyncset.done $0x0  }
0xa: {  	[sflag:s28] =	ssyncadd.s32 $0xFFFFFFF8  }
0xb: {  	v0 =	vld.msk [tilespmem:$0x0], $0xff;
	_ =	sdelay $0x4  }
0xc: {  	v1 =	vshrl.u32 v0, $0x3  }
0xd: {  	v1 =	vmul.u32 $0x30, v1  }
0xe: {  	v2 =	vlaneseq.u32;
	v0 =	vand.u32 $0x7, v0  }
0xf: {  	v62 =	vand.u32 $0x7, v2;
	v2 =	vshrl.u32 v2, $0x3;
	v0 =	vor.u32 v0, v1  }
0x10: {  	v63 =	vmul.u32 $0x8, v2;
	v0 =	vperm.xlane v0, v62;
	_ =	sdelay $0x1  }
0x11: {  	v0 =	vadd.s32 v63, v0;
	_ =	sdelay $0x3  }
0x12: {  	vm0 =	vmmov $0xffff;
	s6 =	simm.s32 $0x80  }
0x13: {  	[tilespmem:s6], [sflag:$0x1] =	stream.indirect_vreg.gather [hbm4b:s1+s4], $0x80, v0, vm0, $0xb8;
	[tilespmem:$0x1880] =	vst v63  }
0x14: {  	s8 =	simm.s32 $0x880;
	s7 =	sadd.s32 $0x100, s1  }
0x15: {  	[tilespmem:s8], [sflag:$0x1] =	stream.indirect_vreg.gather [hbm4b:s7+s4], $0x80, v0, vm0, $0xb8;
	[tilespmem:$0x1880] =	vst v63  }
0x16: {  	s29 =	simm.s32 $0x1080;
	s30 =	simm.s32 $0x1;
	s1 =	sadd.s32 $0x200, s1  }
0x17: {  	[tilespmem:s29], [sflag:$0x1] =	stream.indirect_vreg.gather [hbm4b:s1+s4], $0x80, v0, vm0, $0xb8;
	[tilespmem:$0x1880] =	vst v63  }
0x18: {  	s31 =	smul.u32 $0x300, s5;
	_ =	swait.ge [sflag:s30], $0x1800  }
0x19: {  	[sflag:s30] =	ssyncset.done $0x0  }
0x1a: {  	s2 =	sadd.s32 s2, s31;
	[sflag:s30] =	ssyncadd.s32 $0xFFFFE800  }
0x1b: {  	[hbm4b:s2+s4] =	stream.linear.scatter [tilespmem:s6], [sflag:$0x2], $0x1800, $0x38;
	[tilespmem:$0x1880] =	vst v63  }
0x1c: {  	_ =	swait.ge [sflag:s28], $0x1800  }
0x1d: {  	[sflag:s28] =	ssyncset.done $0x0  }
0x1e: {  	[sflag:s28] =	ssyncadd.s32 $0xFFFFE800  }
0x1f: {  	_ =	sfence.sel $0x180000  }
0x20: {  	[bflag:$0x0] =	sbarrier.arrive $0xFFFF  }
0x21: {  	p0 =	sne.s32 s5, $0x0;
	_ =	strace $0x90000047  }
0x22: {  	s0 =	sadd.s32 @!p0 $0x100000, s3;
	[bflag:$0x2] =	sbarrier.arrive $0xFFFF  }
0x23: {  	[sflag:s0] =	ssyncadd.tile.s32 @!p0 $0x1;
	_ =	shalt  }
.Lfunc_end2:
_tile_overlayer_lowered:
.L_overlay_start_2:
0x24: {  	(tag) =	ssettag $0x2  }
0x25: {  	s0 =	rddreg [dreg:$0x0];
	s2 =	stileid.u32  }
0x26: {  	s1 =	rddreg [dreg:$0x1];
	p0 =	sne.s32 s2, $0x0  }
0x27: {  	s3 =	rddreg [dreg:$0x2];
	[bflag:$0x3] =	sbarrier.arrive $0xFFFF;
	s2 =	simm.s32 @!p0 $0x1C02  }
0x28: {  	[timem:s3], [sflag:s2] =	dma.local @!p0 [hbm:s0], s1  }
0x29: {  	s0 =	simm.s32 @!p0 $0x2  }
0x2a: {  	_ =	swait.ge @!p0 [sflag:s0], s1  }
0x2b: {  	s1 =	ssub.s32 @!p0 $0x0, s1;
	[sflag:s0] =	ssyncset.done @!p0 $0x0  }
0x2c: {  	[sflag:s0] =	ssyncadd.s32 @!p0 s1  }
0x2d: {  	[bflag:$0x3] =	sbarrier.arrive $0xFFFF  }
0x2e: {  	_ =	shalt  }

</sc_bundles>
